<compile_context>
chip_gen: v7x
topology: tpu7x:2x2x1
jax: 0.10.2.dev20260603
libtpu: 0.0.44.dev20260713+nightly
codegen_flags: <defaults>
</compile_context>

<pallas_src>
import functools

import jax
import jax.numpy as jnp
from jax import lax
from jax.experimental import pallas as pl
from jax.experimental.pallas import tpu as pltpu
from jax.experimental.pallas import tpu_sc as plsc

N = 10000
E = 320000
D = 128
C = 16

NC = 2
NS = 16
CHUNK = 128

E_TOT = E + N
NCHUNKS = -(-E_TOT // (NC * NS * CHUNK))
EPW = NCHUNKS * CHUNK
E_PAD = EPW * NC * NS
R = 10112
RPW = R // NS

_mesh = plsc.VectorSubcoreMesh(core_axis_name="c", subcore_axis_name="s")



@jax.jit
def _sc_degree(dstp, ones_rows, zrows):

    @functools.partial(
        pl.kernel,
        mesh=_mesh,
        out_type=jax.ShapeDtypeStruct((NC, R, 16), jnp.float32),
        scratch_types=[
            pltpu.VMEM((NCHUNKS, CHUNK), jnp.int32),
            pltpu.VMEM((CHUNK, 16), jnp.float32),
            pltpu.VMEM_SHARED((R, 16), jnp.float32),
        ],
    )
    def deg_kernel(dstp_hbm, ones_hbm, z_hbm, out_hbm, didx_v, ones_v, acc_sh):
        c = lax.axis_index("c")
        s = lax.axis_index("s")
        w = c * NS + s
        pltpu.sync_copy(dstp_hbm.at[w], didx_v)
        pltpu.sync_copy(ones_hbm, ones_v)
        pltpu.sync_copy(z_hbm, acc_sh.at[pl.ds(s * RPW, RPW)])
        plsc.subcore_barrier()

        @pl.loop(0, NCHUNKS)
        def _(g):
            pltpu.sync_copy(ones_v, acc_sh.at[didx_v.at[g]], add=True)

        plsc.subcore_barrier()
        pltpu.sync_copy(acc_sh.at[pl.ds(s * RPW, RPW)],
                        out_hbm.at[c].at[pl.ds(s * RPW, RPW)])

    return deg_kernel(dstp, ones_rows, zrows)


@jax.jit
def _sc_propagate(xs, srcp, dstp, zrows):

    @functools.partial(
        pl.kernel,
        mesh=_mesh,
        out_type=jax.ShapeDtypeStruct((NC, R, D), jnp.float32),
        scratch_types=[
            pltpu.VMEM((NCHUNKS, CHUNK), jnp.int32),
            pltpu.VMEM((NCHUNKS, CHUNK), jnp.int32),
            pltpu.VMEM((CHUNK, D), jnp.float32),
            pltpu.VMEM_SHARED((R, D), jnp.float32),
        ],
    )
    def prop_kernel(xs_hbm, srcp_hbm, dstp_hbm, z_hbm, out_hbm,
                    sidx_v, didx_v, rows_v, acc_sh):
        c = lax.axis_index("c")
        s = lax.axis_index("s")
        w = c * NS + s
        pltpu.sync_copy(srcp_hbm.at[w], sidx_v)
        pltpu.sync_copy(dstp_hbm.at[w], didx_v)
        pltpu.sync_copy(z_hbm, acc_sh.at[pl.ds(s * RPW, RPW)])
        plsc.subcore_barrier()

        @pl.loop(0, NCHUNKS)
        def _(g):
            pltpu.sync_copy(xs_hbm.at[sidx_v.at[g]], rows_v)
            pltpu.sync_copy(rows_v, acc_sh.at[didx_v.at[g]], add=True)

        plsc.subcore_barrier()
        pltpu.sync_copy(acc_sh.at[pl.ds(s * RPW, RPW)],
                        out_hbm.at[c].at[pl.ds(s * RPW, RPW)])

    return prop_kernel(xs, srcp, dstp, zrows)



BLK = 2000


def _perturb_body(degp_ref, p_ref, v_ref, dinv_ref, xs_ref):
    deg = degp_ref[0, :, 0:1] + degp_ref[1, :, 0:1]
    dv = lax.rsqrt(deg)
    dinv_ref[...] = dv
    sig = 1.0 / (1.0 + jnp.exp(-p_ref[...]))
    xs_ref[...] = (sig + v_ref[...]) * dv


@jax.jit
def _tc_perturb(degp, P_x, V_x):
    return pl.pallas_call(
        _perturb_body,
        grid=(N // BLK,),
        in_specs=[
            pl.BlockSpec((NC, BLK, 16), lambda i: (0, i, 0)),
            pl.BlockSpec((BLK, D), lambda i: (i, 0)),
            pl.BlockSpec((BLK, D), lambda i: (i, 0)),
        ],
        out_specs=[
            pl.BlockSpec((BLK, 1), lambda i: (i, 0)),
            pl.BlockSpec((BLK, D), lambda i: (i, 0)),
        ],
        out_shape=[
            jax.ShapeDtypeStruct((N, 1), jnp.float32),
            jax.ShapeDtypeStruct((N, D), jnp.float32),
        ],
    )(degp, P_x, V_x)


def _layer1_body(parts_ref, dinv_ref, w1_ref, hs_ref):
    dv = dinv_ref[...]
    x = (parts_ref[0] + parts_ref[1]) * dv
    h = jnp.maximum(jnp.dot(x, w1_ref[...], preferred_element_type=jnp.float32),
                    0.0)
    hs_ref[...] = h * dv


@jax.jit
def _tc_layer1(parts, dinv, W1):
    return pl.pallas_call(
        _layer1_body,
        grid=(N // BLK,),
        in_specs=[
            pl.BlockSpec((NC, BLK, D), lambda i: (0, i, 0)),
            pl.BlockSpec((BLK, 1), lambda i: (i, 0)),
            pl.BlockSpec((D, D), lambda i: (0, 0)),
        ],
        out_specs=pl.BlockSpec((BLK, D), lambda i: (i, 0)),
        out_shape=jax.ShapeDtypeStruct((N, D), jnp.float32),
    )(parts, dinv, W1)


def _layer2_body(parts_ref, dinv_ref, w2_ref, out_ref):
    dv = dinv_ref[...]
    x = (parts_ref[0] + parts_ref[1]) * dv
    logits = jnp.dot(x, w2_ref[...], preferred_element_type=jnp.float32)
    m = jnp.max(logits, axis=-1, keepdims=True)
    e = jnp.exp(logits - m)
    out_ref[...] = e / jnp.sum(e, axis=-1, keepdims=True)


@jax.jit
def _tc_layer2(parts, dinv, W2):
    return pl.pallas_call(
        _layer2_body,
        grid=(N // BLK,),
        in_specs=[
            pl.BlockSpec((NC, BLK, D), lambda i: (0, i, 0)),
            pl.BlockSpec((BLK, 1), lambda i: (i, 0)),
            pl.BlockSpec((D, C), lambda i: (0, 0)),
        ],
        out_specs=pl.BlockSpec((BLK, C), lambda i: (i, 0)),
        out_shape=jax.ShapeDtypeStruct((N, C), jnp.float32),
    )(parts, dinv, W2)



def kernel(V_x, adj, P_x, W1, W2):
    src = adj[0]
    dst = adj[1]
    loops = jnp.arange(N, dtype=jnp.int32)
    pad_s = jnp.zeros((E_PAD - E_TOT,), jnp.int32)
    pad_d = jnp.full((E_PAD - E_TOT,), N, jnp.int32)
    srcp = jnp.concatenate([src, loops, pad_s]).reshape(NC * NS, NCHUNKS, CHUNK)
    dstp = jnp.concatenate([dst, loops, pad_d]).reshape(NC * NS, NCHUNKS, CHUNK)

    ones_rows = jnp.ones((CHUNK, 16), jnp.float32)
    z16 = jnp.zeros((RPW, 16), jnp.float32)
    zD = jnp.zeros((RPW, D), jnp.float32)

    degp = _sc_degree(dstp, ones_rows, z16)
    dinv, xs = _tc_perturb(degp, P_x, V_x)
    parts1 = _sc_propagate(xs, srcp, dstp, zD)
    hs = _tc_layer1(parts1, dinv, W1)
    parts2 = _sc_propagate(hs, srcp, dstp, zD)
    return _tc_layer2(parts2, dinv, W2)

# --- scband reference (transcript-rebuilt; emitter-appended) ---
"""Pipeline reference for scband-node-perturber-76072460746963 (READ-ONLY COPY).

The authoritative reference and input builder live on the scoring server;
editing this copy changes nothing except your own understanding.
"""

import jax, jax.numpy as jnp
import numpy as np

N = 10000
E = 320000
D = 128
C = 16


def setup_inputs(seed: int = 0) -> dict:
    key = jax.random.key(seed)
    k1, k2, k3, k4 = jax.random.split(key, 4)
    V_x = jax.random.normal(k1, (N, D), dtype=jnp.float32)
    # COO adjacency: row 0 = src, row 1 = dst (values < N)
    adj = jax.random.randint(k2, (2, E), 0, N, dtype=jnp.int32)
    # Learned perturbation matrix P_x (initialized to zeros, as in torch module)
    P_x = jnp.zeros((N, D), dtype=jnp.float32)
    # Parameters of the wrapped 2-layer GCN (model.predict_proba_gnn)
    W1 = jax.random.normal(k3, (D, D), dtype=jnp.float32) * 0.05
    W2 = jax.random.normal(k4, (D, C), dtype=jnp.float32) * 0.05
    return {"V_x": V_x, "adj": adj, "P_x": P_x, "W1": W1, "W2": W2}


def _gcn_propagate(x, src, dst, norm):
    # gather messages from src nodes, scale by symmetric norm, scatter-add to dst
    msgs = x[src] * norm[:, None]
    return jax.ops.segment_sum(msgs, dst, num_segments=N)


def reference(V_x, adj, P_x, W1, W2):
    # normalize_adj: add self-loops + symmetric D^{-1/2} A D^{-1/2} normalization
    src = adj[0]
    dst = adj[1]
    loops = jnp.arange(N, dtype=src.dtype)
    src = jnp.concatenate([src, loops])
    dst = jnp.concatenate([dst, loops])
    deg = jax.ops.segment_sum(jnp.ones_like(dst, dtype=jnp.float32), dst, num_segments=N)
    dinv = 1.0 / jnp.sqrt(jnp.clip(deg, 1.0, None))
    norm = dinv[src] * dinv[dst]
    # NodePerturber.forward: V_pert = sigmoid(P_x) + V_x (features_add=False)
    V_pert = jax.nn.sigmoid(P_x) + V_x
    # model.predict_proba_gnn: 2-layer GCN + softmax class probabilities
    h = jax.nn.relu(_gcn_propagate(V_pert, src, dst, norm) @ W1)
    logits = _gcn_propagate(h, src, dst, norm) @ W2
    return jax.nn.softmax(logits, axis=-1)

if __name__ == "__main__":
    import jax
    _d = setup_inputs()
    print(jax.jit(kernel)(*tuple(_d.values())))

</pallas_src>

<mosaic_0001>
#map = affine_map<(d0, d1) -> (0, 0, 0)>
#map1 = affine_map<(d0, d1) -> (0, 0)>
module attributes {stable_mosaic.version = 14 : i64} {
  func.func @deg_kernel(%arg0: i32, %arg1: i32, %arg2: memref<32x81x128xi32, #tpu.memory_space<hbm>>, %arg3: memref<128x16xf32, #tpu.memory_space<hbm>>, %arg4: memref<632x16xf32, #tpu.memory_space<hbm>>, %arg5: memref<2x10112x16xf32, #tpu.memory_space<hbm>>, %arg6: memref<81x128xi32, #tpu.memory_space<vmem>>, %arg7: memref<128x16xf32, #tpu.memory_space<vmem>>, %arg8: memref<10112x16xf32, #tpu.memory_space<vmem_shared>>) attributes {dimension_semantics = [#tpu.dimension_semantics<core_parallel>, #tpu.dimension_semantics<subcore_parallel>], iteration_bounds = array<i64: 2, 16>, scalar_prefetch = 0 : i64, scratch_operands = 3 : i64, tpu.core_type = #tpu.core_type<sc_vector_subcore>, window_params = [{transform_indices = #map}, {transform_indices = #map1}, {transform_indices = #map1}, {transform_indices = #map}]} {
    %mul3A = arith.constant 16 : i32
    %mul3A_0 = arith.muli %arg0, %mul3A : i32
    %add3A = arith.addi %mul3A_0, %arg1 : i32
    "tpu.region"() ({
      %run_scoped3A = tpu.sem_alloc : memref<!tpu.dma_semaphore, #tpu.memory_space<semaphore_mem>>
      %dma_start3A = arith.constant 0 : i32
      %dma_start3A_12 = arith.constant 0 : i32
      %dma_start3A_13 = tpu.memref_slice %arg2[%add3A, %dma_start3A, %dma_start3A_12] : memref<32x81x128xi32, #tpu.memory_space<hbm>> -> memref<1x81x128xi32, #tpu.memory_space<hbm>>
      %dma_start3A_14 = tpu.memref_squeeze %dma_start3A_13 : memref<1x81x128xi32, #tpu.memory_space<hbm>> -> memref<81x128xi32, #tpu.memory_space<hbm>>
      %dma_start3A_15 = arith.constant 0 : i32
      %dma_start3A_16 = arith.constant 0 : i32
      %dma_start3A_17 = tpu.memref_slice %arg2[%add3A, %dma_start3A_15, %dma_start3A_16] : memref<32x81x128xi32, #tpu.memory_space<hbm>> -> memref<1x81x128xi32, #tpu.memory_space<hbm>>
      %dma_start3A_18 = tpu.memref_squeeze %dma_start3A_17 : memref<1x81x128xi32, #tpu.memory_space<hbm>> -> memref<81x128xi32, #tpu.memory_space<hbm>>
      tpu.enqueue_dma source(%dma_start3A_18 : memref<81x128xi32, #tpu.memory_space<hbm>>) target(%arg6 : memref<81x128xi32, #tpu.memory_space<vmem>>) target_semaphore(%run_scoped3A : memref<!tpu.dma_semaphore, #tpu.memory_space<semaphore_mem>>)
      %dma_wait3A = arith.constant 0 : i32
      %dma_wait3A_19 = arith.constant 0 : i32
      %dma_wait3A_20 = tpu.memref_slice %arg2[%add3A, %dma_wait3A, %dma_wait3A_19] : memref<32x81x128xi32, #tpu.memory_space<hbm>> -> memref<1x81x128xi32, #tpu.memory_space<hbm>>
      %dma_wait3A_21 = tpu.memref_squeeze %dma_wait3A_20 : memref<1x81x128xi32, #tpu.memory_space<hbm>> -> memref<81x128xi32, #tpu.memory_space<hbm>>
      %dma_wait3A_22 = arith.constant 0 : i32
      %dma_wait3A_23 = arith.constant 0 : i32
      %dma_wait3A_24 = tpu.memref_slice %arg2[%add3A, %dma_wait3A_22, %dma_wait3A_23] : memref<32x81x128xi32, #tpu.memory_space<hbm>> -> memref<1x81x128xi32, #tpu.memory_space<hbm>>
      %dma_wait3A_25 = tpu.memref_squeeze %dma_wait3A_24 : memref<1x81x128xi32, #tpu.memory_space<hbm>> -> memref<81x128xi32, #tpu.memory_space<hbm>>
      tpu.wait_dma2 semaphore(%run_scoped3A : memref<!tpu.dma_semaphore, #tpu.memory_space<semaphore_mem>>) src(%dma_wait3A_25 : memref<81x128xi32, #tpu.memory_space<hbm>>) dst(%arg6 : memref<81x128xi32, #tpu.memory_space<vmem>>)
      tpu.yield
    }) : () -> ()
    "tpu.region"() ({
      %run_scoped3A = tpu.sem_alloc : memref<!tpu.dma_semaphore, #tpu.memory_space<semaphore_mem>>
      tpu.enqueue_dma source(%arg3 : memref<128x16xf32, #tpu.memory_space<hbm>>) target(%arg7 : memref<128x16xf32, #tpu.memory_space<vmem>>) target_semaphore(%run_scoped3A : memref<!tpu.dma_semaphore, #tpu.memory_space<semaphore_mem>>)
      tpu.wait_dma2 semaphore(%run_scoped3A : memref<!tpu.dma_semaphore, #tpu.memory_space<semaphore_mem>>) src(%arg3 : memref<128x16xf32, #tpu.memory_space<hbm>>) dst(%arg7 : memref<128x16xf32, #tpu.memory_space<vmem>>)
      tpu.yield
    }) : () -> ()
    %mul3A_1 = arith.constant 632 : i32
    %mul3A_2 = arith.muli %arg1, %mul3A_1 : i32
    "tpu.region"() ({
      %run_scoped3A = tpu.sem_alloc : memref<!tpu.dma_semaphore, #tpu.memory_space<semaphore_mem>>
      %dma_start3A = arith.constant 0 : i32
      %dma_start3A_12 = tpu.memref_slice %arg8[%mul3A_2, %dma_start3A] : memref<10112x16xf32, #tpu.memory_space<vmem_shared>> -> memref<632x16xf32, #tpu.memory_space<vmem_shared>>
      tpu.enqueue_dma source(%arg4 : memref<632x16xf32, #tpu.memory_space<hbm>>) target(%dma_start3A_12 : memref<632x16xf32, #tpu.memory_space<vmem_shared>>) target_semaphore(%run_scoped3A : memref<!tpu.dma_semaphore, #tpu.memory_space<semaphore_mem>>)
      %dma_wait3A = arith.constant 0 : i32
      %dma_wait3A_13 = tpu.memref_slice %arg8[%mul3A_2, %dma_wait3A] : memref<10112x16xf32, #tpu.memory_space<vmem_shared>> -> memref<632x16xf32, #tpu.memory_space<vmem_shared>>
      tpu.wait_dma2 semaphore(%run_scoped3A : memref<!tpu.dma_semaphore, #tpu.memory_space<semaphore_mem>>) src(%arg4 : memref<632x16xf32, #tpu.memory_space<hbm>>) dst(%dma_wait3A_13 : memref<632x16xf32, #tpu.memory_space<vmem_shared>>)
      tpu.yield
    }) : () -> ()
    %barrier3A = arith.constant 0 : index
    tpu.barrier barrier_id(%barrier3A)
    %scan3A = arith.constant 0 : i32
    %scan3A_3 = arith.constant 81 : i32
    %scan3A_4 = arith.addi %scan3A, %scan3A_3 : i32
    %scan3A_5 = arith.constant 1 : i32
    scf.for %scan3A_12 = %scan3A to %scan3A_4 step %scan3A_5  : i32 {
      %mul3A_13 = arith.constant 1 : i32
      %mul3A_14 = arith.muli %scan3A_12, %mul3A_13 : i32
      %add3A_15 = arith.constant 0 : i32
      %add3A_16 = arith.addi %add3A_15, %mul3A_14 : i32
      "tpu.region"() ({
        %run_scoped3A = tpu.sem_alloc : memref<!tpu.dma_semaphore, #tpu.memory_space<semaphore_mem>>
        %dma_start3A = arith.constant 0 : i32
        %dma_start3A_17 = tpu.memref_slice %arg6[%add3A_16, %dma_start3A] : memref<81x128xi32, #tpu.memory_space<vmem>> -> memref<1x128xi32, #tpu.memory_space<vmem>>
        %dma_start3A_18 = tpu.memref_squeeze %dma_start3A_17 : memref<1x128xi32, #tpu.memory_space<vmem>> -> memref<128xi32, #tpu.memory_space<vmem>>
        %dma_start3A_19 = arith.constant 0 : i32
        %dma_start3A_20 = arith.constant 0 : i32
        %dma_start3A_21 = tpu.memref_slice %arg8[%dma_start3A_19, %dma_start3A_20] : memref<10112x16xf32, #tpu.memory_space<vmem_shared>> -> memref<10112x16xf32, #tpu.memory_space<vmem_shared>>
        tpu.enqueue_indirect_dma source(%arg7 : memref<128x16xf32, #tpu.memory_space<vmem>>) target(%dma_start3A_21 : memref<10112x16xf32, #tpu.memory_space<vmem_shared>>) offsets(%dma_start3A_18 : memref<128xi32, #tpu.memory_space<vmem>>) semaphore(%run_scoped3A : memref<!tpu.dma_semaphore, #tpu.memory_space<semaphore_mem>>) {add = true}
        %dma_wait3A = arith.constant 0 : i32
        %dma_wait3A_22 = tpu.memref_slice %arg6[%add3A_16, %dma_wait3A] : memref<81x128xi32, #tpu.memory_space<vmem>> -> memref<1x128xi32, #tpu.memory_space<vmem>>
        %dma_wait3A_23 = tpu.memref_squeeze %dma_wait3A_22 : memref<1x128xi32, #tpu.memory_space<vmem>> -> memref<128xi32, #tpu.memory_space<vmem>>
        %dma_wait3A_24 = arith.constant 0 : i32
        %dma_wait3A_25 = arith.constant 0 : i32
        %dma_wait3A_26 = tpu.memref_slice %arg8[%dma_wait3A_24, %dma_wait3A_25] : memref<10112x16xf32, #tpu.memory_space<vmem_shared>> -> memref<10112x16xf32, #tpu.memory_space<vmem_shared>>
        tpu.wait_indirect_dma semaphore(%run_scoped3A : memref<!tpu.dma_semaphore, #tpu.memory_space<semaphore_mem>>) src(%arg7 : memref<128x16xf32, #tpu.memory_space<vmem>>) dst(%dma_wait3A_26 : memref<10112x16xf32, #tpu.memory_space<vmem_shared>>)
        tpu.yield
      }) : () -> ()
    }
    %scan3A_6 = arith.constant 81 : i32
    %barrier3A_7 = arith.constant 0 : index
    tpu.barrier barrier_id(%barrier3A_7)
    %mul3A_8 = arith.constant 632 : i32
    %mul3A_9 = arith.muli %arg1, %mul3A_8 : i32
    %mul3A_10 = arith.constant 632 : i32
    %mul3A_11 = arith.muli %arg1, %mul3A_10 : i32
    "tpu.region"() ({
      %run_scoped3A = tpu.sem_alloc : memref<!tpu.dma_semaphore, #tpu.memory_space<semaphore_mem>>
      %dma_start3A = arith.constant 0 : i32
      %dma_start3A_12 = arith.constant 0 : i32
      %dma_start3A_13 = tpu.memref_slice %arg5[%arg0, %dma_start3A, %dma_start3A_12] : memref<2x10112x16xf32, #tpu.memory_space<hbm>> -> memref<1x10112x16xf32, #tpu.memory_space<hbm>>
      %dma_start3A_14 = tpu.memref_squeeze %dma_start3A_13 : memref<1x10112x16xf32, #tpu.memory_space<hbm>> -> memref<10112x16xf32, #tpu.memory_space<hbm>>
      %dma_start3A_15 = arith.constant 0 : i32
      %dma_start3A_16 = tpu.memref_slice %dma_start3A_14[%mul3A_11, %dma_start3A_15] : memref<10112x16xf32, #tpu.memory_space<hbm>> -> memref<632x16xf32, #tpu.memory_space<hbm>>
      %dma_start3A_17 = arith.constant 0 : i32
      %dma_start3A_18 = tpu.memref_slice %arg8[%mul3A_9, %dma_start3A_17] : memref<10112x16xf32, #tpu.memory_space<vmem_shared>> -> memref<632x16xf32, #tpu.memory_space<vmem_shared>>
      tpu.enqueue_dma source(%dma_start3A_18 : memref<632x16xf32, #tpu.memory_space<vmem_shared>>) target(%dma_start3A_16 : memref<632x16xf32, #tpu.memory_space<hbm>>) target_semaphore(%run_scoped3A : memref<!tpu.dma_semaphore, #tpu.memory_space<semaphore_mem>>)
      %dma_wait3A = arith.constant 0 : i32
      %dma_wait3A_19 = arith.constant 0 : i32
      %dma_wait3A_20 = tpu.memref_slice %arg5[%arg0, %dma_wait3A, %dma_wait3A_19] : memref<2x10112x16xf32, #tpu.memory_space<hbm>> -> memref<1x10112x16xf32, #tpu.memory_space<hbm>>
      %dma_wait3A_21 = tpu.memref_squeeze %dma_wait3A_20 : memref<1x10112x16xf32, #tpu.memory_space<hbm>> -> memref<10112x16xf32, #tpu.memory_space<hbm>>
      %dma_wait3A_22 = arith.constant 0 : i32
      %dma_wait3A_23 = tpu.memref_slice %dma_wait3A_21[%mul3A_11, %dma_wait3A_22] : memref<10112x16xf32, #tpu.memory_space<hbm>> -> memref<632x16xf32, #tpu.memory_space<hbm>>
      %dma_wait3A_24 = arith.constant 0 : i32
      %dma_wait3A_25 = tpu.memref_slice %arg8[%mul3A_9, %dma_wait3A_24] : memref<10112x16xf32, #tpu.memory_space<vmem_shared>> -> memref<632x16xf32, #tpu.memory_space<vmem_shared>>
      tpu.wait_dma2 semaphore(%run_scoped3A : memref<!tpu.dma_semaphore, #tpu.memory_space<semaphore_mem>>) src(%dma_wait3A_25 : memref<632x16xf32, #tpu.memory_space<vmem_shared>>) dst(%dma_wait3A_23 : memref<632x16xf32, #tpu.memory_space<hbm>>)
      tpu.yield
    }) : () -> ()
    return
  }
}

</mosaic_0001>

<sc_bundles>
// kernel: _sc_degree.3.cloned.1.call-start
scs
__scs_entry_jumppad:
0x0: {  	(pc) =	sbr.rel $0x88, $3  }
0x1: {  	(tag) =	ssettag $0x0;
	lr =	simm.s32 $0x1  }
0x2: {  	[smem:$0x3F9E] =	sst lr;
	_ =	strace $0xD0000000  }
0x3: {  	_ = 	snop  }
0x4: {  	_ = 	snop  }
0x5: {  	_ = 	snop  }
0x6: {  	_ = 	snop  }
0x7: {  	_ = 	snop  }
__scs_overlays_trampoline_lowered:
0x8: {  	[smem:$0x3FAD] =	sst s0  }
0x9: {  	[smem:$0x3FAE] =	sst s1  }
0xa: {  	[smem:$0x3FAF] =	sst s2  }
0xb: {  	[smem:$0x3FB0] =	sst s3  }
0xc: {  	[smem:$0x3FB1] =	sst s4  }
0xd: {  	[smem:$0x3FB2] =	sst s5  }
0xe: {  	[smem:$0x3FB3] =	sst s6  }
0xf: {  	[smem:$0x3FB4] =	sst s7  }
0x10: {  	[smem:$0x3FB5] =	sst s8  }
0x11: {  	[smem:$0x3FB6] =	sst s9;
	s0 =	simm.s32 @!p0 $0x0  }
0x12: {  	s1 =	sld [smem:$0x3F9C];
	s0 =	simm.s32 @p0 $0x1  }
0x13: {  	[smem:$0x3FB7] =	sst s0;
	s0 =	simm.s32 @!p1 $0x0  }
0x14: {  	s2 =	sld [smem:$0x3F9B];
	s0 =	simm.s32 @p1 $0x1  }
0x15: {  	[smem:$0x3FB8] =	sst s0;
	s0 =	simm.s32 @!p2 $0x0  }
0x16: {  	s3 =	sld [smem:$0x3FDB];
	s0 =	simm.s32 @p2 $0x1  }
0x17: {  	s4 =	simm.s32 $0x1BF5;
	[smem:$0x3FBA] =	sst s0  }
0x18: {  	s0 =	sld [smem:$0x3F9D];
	_ =	swait.ge [sflag:s4], $0x0  }
0x19: {  	s7 =	sld [smem:$0x3F9E]  }
0x1a: {  	s8 =	sadd.s32 $0xFFFFE003, lr  }
0x1b: {  	s9 =	sadd.s32 $0xFFFFFEF7, lr;
	s5 =	simm.s32 $0xFFFFFFFF;
	p2 =	slt.u32 s8, $0xFFFFF086  }
0x1c: {  	p1 =	slt.u32 s9, $0xF7A;
	s5 =	simm.s32 @!p2 $0x0  }
0x1d: {  	s5 =	simm.s32 @p1 $0x1;
	p0 =	seq.s32 s7, s2  }
0x1e: {  	s7 =	smul.u32 @!p0 $0xF7A, s2;
	p2 =	seq.s32 @!p0 s5, $0x0  }
0x1f: {  	s9 =	smul.u32 $0xF7A, s1;
	s8 =	simm.s32 @!p0 $0x1BF5;
	p2 =	por !p2, p0  }
0x20: {  	[sflag:s8] =	ssyncset.s32 @!p0 $0xFFFFF086;
	s6 =	sadd.s32 @!p0 s3, s7;
	s7 =	simm.s32 @!p0 $0x108  }
0x21: {  	s3 =	sadd.s32 s3, s9;
	s6 =	sadd.s32 @!p0 $0x88, s6;
	s7 =	simm.s32 @p2 $0x1082  }
0x22: {  	[simem:s7], [sflag:s8] =	dma.local @!p0 [hbm:s6], $0xF7A  }
0x23: {  	s9 =	sor.u32 $0xD0000000, s2;
	s6 =	simm.s32 $0x108;
	_ =	swait.ge @!p0 [sflag:s8], $0x0  }
0x24: {  	s3 =	sadd.s32 $0x88, s3;
	s6 =	simm.s32 @!p1 $0x1082;
	[sflag:s4] =	ssyncset.s32 $0xFFFFF086  }
0x25: {  	[simem:s6], [sflag:s4] =	dma.local [hbm:s3], $0xF7A  }
0x26: {  	[smem:$0x3F9E] =	sst s1;
	(tag) =	ssettag s2;
	_ =	strace s9  }
0x27: {  	s1 =	sld [smem:$0x3FAE]  }
0x28: {  	s2 =	sld [smem:$0x3FAF]  }
0x29: {  	s4 =	sld [smem:$0x3FB1]  }
0x2a: {  	p0 =	seq.s32 s5, $0x0;
	s5 =	sld [smem:$0x3FB2]  }
0x2b: {  	s6 =	sld [smem:$0x3FB3]  }
0x2c: {  	s7 =	sld [smem:$0x3FB4]  }
0x2d: {  	s3 =	simm.s32 $0x108;
	s8 =	sld [smem:$0x3FB5]  }
0x2e: {  	s3 =	simm.s32 @!p0 $0x1082;
	s9 =	sld [smem:$0x3FB6]  }
0x2f: {  	lr =	sadd.s32 s0, s3;
	s0 =	sld [smem:$0x3FAD]  }
0x30: {  	s3 =	sld [smem:$0x3FB0]  }
0x31: {  	[smem:$0x3FB9] =	sst s10  }
0x32: {  	s10 =	sld [smem:$0x3FB7];
	_ =	sdelay $0x3  }
0x33: {  	p0 =	seq.s32 s10, $0x1;
	s10 =	sld [smem:$0x3FB9];
	_ =	sdelay $0x3  }
0x34: {  	[smem:$0x3FB9] =	sst s10  }
0x35: {  	s10 =	sld [smem:$0x3FB8];
	_ =	sdelay $0x3  }
0x36: {  	p1 =	seq.s32 s10, $0x1;
	s10 =	sld [smem:$0x3FB9];
	_ =	sdelay $0x3  }
0x37: {  	[smem:$0x3FB9] =	sst s10  }
0x38: {  	s10 =	sld [smem:$0x3FBA]  }
0x39: {  	_ = 	snop;
	(pc) =	sbr.ind lr, $3  }
0x3a: {  	_ = 	snop  }
0x3b: {  	_ = 	snop  }
0x3c: {  	p2 =	seq.s32 s10, $0x1;
	s10 =	sld [smem:$0x3FB9]  }
0x3d: {  	_ =	shalt  }
0x3e: {  	_ =	shalt  }
0x3f: {  	_ =	shalt  }
0x40: {  	_ =	shalt  }
0x41: {  	_ =	shalt  }
0x42: {  	_ =	shalt  }
0x43: {  	_ =	shalt  }
0x44: {  	_ =	shalt  }
0x45: {  	_ =	shalt  }
0x46: {  	_ =	shalt  }
0x47: {  	_ =	shalt  }
0x48: {  	_ =	shalt  }
0x49: {  	_ =	shalt  }
0x4a: {  	_ =	shalt  }
0x4b: {  	_ =	shalt  }
0x4c: {  	_ =	shalt  }
0x4d: {  	_ =	shalt  }
0x4e: {  	_ =	shalt  }
0x4f: {  	_ =	shalt  }
0x50: {  	_ =	shalt  }
0x51: {  	_ =	shalt  }
0x52: {  	_ =	shalt  }
0x53: {  	_ =	shalt  }
0x54: {  	_ =	shalt  }
0x55: {  	_ =	shalt  }
0x56: {  	_ =	shalt  }
0x57: {  	_ =	shalt  }
0x58: {  	_ =	shalt  }
0x59: {  	_ =	shalt  }
0x5a: {  	_ =	shalt  }
0x5b: {  	_ =	shalt  }
0x5c: {  	_ =	shalt  }
0x5d: {  	_ =	shalt  }
0x5e: {  	_ =	shalt  }
0x5f: {  	_ =	shalt  }
0x60: {  	_ =	shalt  }
0x61: {  	_ =	shalt  }
0x62: {  	_ =	shalt  }
0x63: {  	_ =	shalt  }
0x64: {  	_ =	shalt  }
0x65: {  	_ =	shalt  }
0x66: {  	_ =	shalt  }
0x67: {  	_ =	shalt  }
0x68: {  	_ =	shalt  }
0x69: {  	_ =	shalt  }
0x6a: {  	_ =	shalt  }
0x6b: {  	_ =	shalt  }
0x6c: {  	_ =	shalt  }
0x6d: {  	_ =	shalt  }
0x6e: {  	_ =	shalt  }
0x6f: {  	_ =	shalt  }
0x70: {  	_ =	shalt  }
0x71: {  	_ =	shalt  }
0x72: {  	_ =	shalt  }
0x73: {  	_ =	shalt  }
0x74: {  	_ =	shalt  }
0x75: {  	_ =	shalt  }
0x76: {  	_ =	shalt  }
0x77: {  	_ =	shalt  }
0x78: {  	_ =	shalt  }
0x79: {  	_ =	shalt  }
0x7a: {  	_ =	shalt  }
0x7b: {  	_ =	shalt  }
0x7c: {  	_ =	shalt  }
0x7d: {  	_ =	shalt  }
0x7e: {  	_ =	shalt  }
0x7f: {  	_ =	shalt  }
0x80: {  	_ =	shalt  }
0x81: {  	_ =	shalt  }
0x82: {  	_ =	shalt  }
0x83: {  	_ =	shalt  }
0x84: {  	_ =	shalt  }
0x85: {  	_ =	shalt  }
0x86: {  	_ =	shalt  }
0x87: {  	_ =	shalt  }
.Lfunc_end0:
.L_simem_size_0:
called_computation_lowered:
.L_overlay_start_0:
0x88: {  	s2 =	sld [smem:$0x3FD9]  }
0x89: {  	s3 =	sld [smem:$0x3FFE];
	_ =	sdelay $0x1  }
0x8a: {  	s1 =	srdreg.scid  }
0x8b: {  	s0 =	sand.u32 $0x1, s1  }
0x8c: {  	s17 =	sshll.u32 s0, $0xA;
	s2 =	sadd.s32 s3, s2  }
0x8d: {  	s2 =	sadd.s32 s2, s17  }
0x8e: {  	[smem:$0x3FC5] =	sst s2  }
0x8f: {  	_ = 	snop  }
0x90: {  	s2 =	sld [smem:$0x3FD0];
	(tm) =	ssettm $0x1  }
0x91: {  	s18 =	sld [smem:$0x3FFB];
	_ =	sdelay $0x3  }
0x92: {  	_ =	strace s18  }
0x93: {  	s3 =	sld [smem:$0x3FFC];
	_ =	sdelay $0x3  }
0x94: {  	_ =	strace s3  }
0x95: {  	s3 =	sld [smem:$0x3FFD];
	_ =	sdelay $0x3  }
0x96: {  	_ =	strace s3  }
0x97: {  	_ =	strace $0x8FFFFFFF  }
0x98: {  	s19 =	sld [smem:$0x3FDB];
	_ =	sdelay $0x1  }
0x99: {  	s4 =	simm.s32 $_scs_section_size  }
0x9a: {  	s5 =	simm.s32 $_size__tile_overlayer_lowered;
	s6 =	simm.s32 $_tile_overlayer_lowered  }
0x9b: {  	s22 =	simm.s32 $0x1BFF;
	s21 =	sshll.u32 s6, $0x1;
	s3 =	sadd.s32 s4, s19  }
0x9c: {  	s7 =	simm.s32 $0x0;
	s20 =	sshll.u32 s5, $0x1;
	s5 =	sadd.s32 s21, s3  }
0x9d: {  	[timem:s7], [sflag:s22] =	dma.local [hbm:s5], s20  }
0x9e: {  	_ =	swait.ge [sflag:s22], s20  }
0x9f: {  	s4 =	ssub.s32 $0x0, s20;
	[sflag:s22] =	ssyncset.done $0x0  }
0xa0: {  	[sflag:s22] =	ssyncadd.s32 s4;
	_ =	sdelay $0x1  }
0xa1: {  	s23 =	simm.s32 $0x1B8B  }
0xa2: {  	_ =	swait.ge [sflag:s23], $0x1  }
0xa3: {  	[sflag:s23] =	ssyncset.done $0x0  }
0xa4: {  	s25 =	simm.s32 $0x1B8E;
	s24 =	sld [smem:$0x3FFE];
	[sflag:s23] =	ssyncadd.s32 $0xFFFFFFFF  }
0xa5: {  	s26 =	simm.s32 $execute0_lowered;
	[smem:$0x3FD2] =	sst s25  }
0xa6: {  	s5 =	sshll.u32 s26, $0x1;
	_ =	strace $0x80000046;
	[dreg:$0x1] =	wrdreg $0xFFFFFFFF  }
0xa7: {  	s28 =	simm.s32 $_size_execute0_lowered;
	s3 =	sadd.s32 s3, s5;
	[dreg:$0x0] =	wrdreg $0x0  }
0xa8: {  	s5 =	sshll.u32 s28, $0x1;
	[dreg:$0x2] =	wrdreg s3  }
0xa9: {  	[dreg:$0x3] =	wrdreg s5  }
0xaa: {  	[dreg:$0x4] =	wrdreg $0xC0  }
0xab: {  	_ =	task [dreg:s7], $0x5FFFF  }
0xac: {  	[dreg:$0x1] =	wrdreg $0xFFFFFFFF  }
0xad: {  	[dreg:$0x0] =	wrdreg $0x60  }
0xae: {  	[dreg:$0x2] =	wrdreg s24  }
0xaf: {  	[dreg:$0x3] =	wrdreg s2  }
0xb0: {  	[dreg:$0x4] =	wrdreg $0x6C000  }
0xb1: {  	[dreg:$0x5] =	wrdreg $0x9  }
0xb2: {  	_ =	task.clear_ibuf [dreg:s7], $0x6FFFF;
	_ =	strace $0x90000046  }
0xb3: {  	s29 =	simm.s32 $0x9;
	_ =	strace $0x80000048  }
0xb4: {  	_ =	swait.ge [sflag:s29], $0x1  }
0xb5: {  	[sflag:s29] =	ssyncadd.s32 $0xFFFFFFFF  }
0xb6: {  	_ =	strace $0x90000048  }
0xb7: {  	_ =	sfence  }
0xb8: {  	s30 =	sld [smem:$0x0];
	_ =	sdelay $0x2  }
0xb9: {  	s31 =	sshll.u32 s1, $0xD;
	s1 =	sshrl.u32 s1, $0x2  }
0xba: {  	s3 =	sand.u32 $0x4000, s31;
	s1 =	sadd.s32 s1, s30  }
0xbb: {  	s0 =	sor.u32 s3, s0;
	s1 =	sshll.u32 s1, $0x11  }
0xbc: {  	s0 =	sor.u32 s1, s0  }
0xbd: {  	s0 =	sadd.s32 $0x8F2B, s0  }
0xbe: {  	[sflag:s0] =	ssyncadd.remote.s32 $0x1  }
0xbf: {  	_ =	sfence.sel $0xFFFF  }
0xc0: {  	[dreg:$0x0] =	wrdreg $0xFFFFFFFF;
	(pc) =	sbr.abs _section_cstart, $3  }
0xc1: {  	[dreg:$0x1] =	wrdreg $0xFFFFFFFF  }
0xc2: {  	_ =	task.clear_ibuf [dreg:s7], $0x2FFFF;
	_ =	strace $0x9FFFFFFF  }
0xc3: {  	(tm) =	ssettm $0x7FFFFFFF  }
tec
execute0_lowered:
.L_overlay_start_1:
0x0: {  	(tag) =	ssettag $0x1  }
0x1: {  	s6 =	rddreg [dreg:$0x0]  }
0x2: {  	s0 =	srdreg.scid;
	s2 =	rddreg [dreg:$0x1]  }
0x3: {  	s3 =	rddreg [dreg:$0x2];
	s1 =	stileid.u32  }
0x4: {  	s4 =	simm.s32 $0x0;
	s5 =	sand.u32 $0x1, s0;
	s0 =	rddreg [dreg:$0x3]  }
0x5: {  	s12 =	simm.s32 $0x80;
	[smem:$0x7FF] =	sst s4;
	s10 =	smul.u32 $0x4F000, s1  }
0x6: {  	s14 =	smul.u32 $0x2780, s1;
	s31 =	sshll.u32 s1, $0x6;
	s7 =	sshll.u32 s5, $0x4  }
0x7: {  	_ =	strace $0x80000047;
	s8 =	smul.u32 $0x27800, s5;
	s9 =	ssub.s32 $0x2, s5  }
0x8: {  	s5 =	sadd.s32 $0x400, s6;
	s7 =	sor.u32 s1, s7;
	s29 =	sshrl.u32 s9, $0x1  }
0x9: {  	s30 =	sshrl.u32 s10, $0x2;
	s10 =	sor.u32 $0x1C01, s31;
	s7 =	smul.u32 $0x580, s7  }
0xa: {  	s8 =	sadd.s32 s8, s6;
	s9 =	ssub.s32 s9, s29;
	s11 =	sadd.s32 s30, s3  }
0xb: {  	s13 =	sadd.s32 $0xBC00, s8;
	s8 =	simm.s32 $0x1;
	s11 =	sshrl.u32 s11, $0x3  }
0xc: {  	s7 =	sadd.s32 s7, s6;
	s13 =	sadd.s32 s14, s13;
	s14 =	simm.s32 $0x0  }
0xd: {  	s6 =	sadd.s32 $0xC00, s7;
	s7 =	smax.u32 s9, $0x1;
	s9 =	simm.s32 $0x2C00  }
.LBB2_1:
0xe: {  	[tilespmem:s4], [sflag:$0x1] =	stream.linear.gather [hbm4b:s6+s4], $0x2880, $0x38;
	[tilespmem:$0x9380] =	vst v63  }
0xf: {  	_ =	swait.ge [sflag:s8], $0x2880  }
0x10: {  	[sflag:s8] =	ssyncset.done $0x0  }
0x11: {  	[sflag:s8] =	ssyncadd.s32 $0xFFFFD780  }
0x12: {  	[tilespmem:s9], [sflag:$0x1] =	stream.linear.gather [hbm4b:s5+s4], $0x4000, $0x38;
	[tilespmem:$0x9380] =	vst v63  }
0x13: {  	_ =	swait.ge [sflag:s8], $0x4000  }
0x14: {  	[sflag:s8] =	ssyncset.done $0x0  }
0x15: {  	[sflag:s8] =	ssyncadd.s32 $0xFFFFC000  }
0x16: {  	[spmem:s11], [sflag:s10] =	dma.local [hbm:s2], $0x2780  }
0x17: {  	_ =	swait.ge [sflag:s8], $0x2780  }
0x18: {  	[sflag:s8] =	ssyncset.done $0x0  }
0x19: {  	[sflag:s8] =	ssyncadd.s32 $0xFFFFD880  }
0x1a: {  	s15 =	simm.s32 $0x0;
	[bflag:$0x0] =	sbarrier.arrive $0xFFFF  }
0x1b: {  	[spmem:s3] =	stream.indirect.scatter.add.f32 [tilespmem:s9], [sflag:$0x1], $0x10, s15, s12, $0xb8;
	[tilespmem:$0x9380] =	vst v63  }
0x1c: {  	_ =	swait.ge [sflag:s8], $0x800  }
0x1d: {  	s15 =	simm.s32 $0x200;
	[sflag:s8] =	ssyncset.done $0x0  }
.LBB2_2:
0x1e: {  	s16 =	sshra.s32 s15, $0x2;
	[sflag:s8] =	ssyncadd.s32 $0xFFFFF800;
	p0 =	sne.s32 s15, $0xA000  }
0x1f: {  	[spmem:s3] =	stream.indirect.scatter.add.f32 [tilespmem:s9], [sflag:$0x1], $0x10, s16, s12, $0xb8;
	[tilespmem:$0x9380] =	vst v63  }
.Ltmp0:
0x20: {  	_ = 	snop;
	(pc) =	sbr.rel @p0 .LBB2_2-.Ltmp0, $4  }
0x21: {  	_ = 	snop  }
0x22: {  	s15 =	sadd.s32 $0x200, s15  }
0x23: {  	_ =	swait.ge [sflag:s8], $0x800  }
0x24: {  	[sflag:s8] =	ssyncset.done $0x0  }
0x25: {  	s14 =	sadd.s32 $0x1, s14  }
0x26: {  	[sflag:s8] =	ssyncadd.s32 $0xFFFFF800;
	p0 =	sne.s32 s14, s7  }
.Ltmp1:
0x27: {  	[bflag:$0x0] =	sbarrier.arrive $0xFFFF;
	(pc) =	sbr.rel @p0 .LBB2_1-.Ltmp1, $4  }
0x28: {  	[hbm:s13], [sflag:s10] =	dma.local [spmem:s11], $0x2780  }
0x29: {  	_ =	swait.ge [sflag:s8], $0x2780  }
0x2a: {  	[sflag:s8] =	ssyncset.done $0x0  }
0x2b: {  	[sflag:s8] =	ssyncadd.s32 $0xFFFFD880  }
0x2c: {  	_ =	sfence.sel $0x180000  }
0x2d: {  	[bflag:$0x0] =	sbarrier.arrive $0xFFFF  }
0x2e: {  	p0 =	sne.s32 s1, $0x0;
	_ =	strace $0x90000047  }
0x2f: {  	s0 =	sadd.s32 @!p0 $0x100000, s0;
	[bflag:$0x2] =	sbarrier.arrive $0xFFFF  }
0x30: {  	[sflag:s0] =	ssyncadd.tile.s32 @!p0 $0x1;
	_ =	shalt  }
.Lfunc_end2:
_tile_overlayer_lowered:
.L_overlay_start_2:
0x31: {  	(tag) =	ssettag $0x2  }
0x32: {  	s0 =	rddreg [dreg:$0x0];
	s2 =	stileid.u32  }
0x33: {  	s1 =	rddreg [dreg:$0x1];
	p0 =	sne.s32 s2, $0x0  }
0x34: {  	s3 =	rddreg [dreg:$0x2];
	[bflag:$0x3] =	sbarrier.arrive $0xFFFF;
	s2 =	simm.s32 @!p0 $0x1C01  }
0x35: {  	[timem:s3], [sflag:s2] =	dma.local @!p0 [hbm:s0], s1  }
0x36: {  	s0 =	simm.s32 @!p0 $0x1  }
0x37: {  	_ =	swait.ge @!p0 [sflag:s0], s1  }
0x38: {  	s1 =	ssub.s32 @!p0 $0x0, s1;
	[sflag:s0] =	ssyncset.done @!p0 $0x0  }
0x39: {  	[sflag:s0] =	ssyncadd.s32 @!p0 s1  }
0x3a: {  	[bflag:$0x3] =	sbarrier.arrive $0xFFFF  }
0x3b: {  	_ =	shalt  }

</sc_bundles>
